<compile_context>
chip_gen: v7x
topology: tpu7x:2x2x1
jax: 0.10.2.dev20260603
libtpu: 0.0.44.dev20260713+nightly
codegen_flags: <defaults>
</compile_context>

<pallas_src>
import functools
import jax
import jax.numpy as jnp
from jax import lax
from jax.experimental import pallas as pl
from jax.experimental.pallas import tpu as pltpu
from jax.experimental.pallas import tpu_sc as plsc

B, H, W = 16, 384, 384
N = H * W
HALF = N // 2


def _keys_kernel(rt_ref, at_ref, rp_ref, ap_ref, cf_ref, bg_ref, keys_ref):
    dr = rt_ref[0] - rp_ref[0]
    da = at_ref[0] - ap_ref[0]
    l_total = (dr * dr + da * da) * cf_ref[0]
    keys_ref[0] = jnp.where(bg_ref[0] > 0.0,
                            lax.bitcast_convert_type(l_total, jnp.int32),
                            jnp.int32(-1))


def _tc_keys(rt, at, rp, ap, cf, bg):
    spec = pl.BlockSpec((1, H, W), lambda i: (i, 0, 0))
    return pl.pallas_call(
        _keys_kernel,
        grid=(B,),
        in_specs=[spec] * 6,
        out_specs=spec,
        out_shape=jax.ShapeDtypeStruct((B, H, W), jnp.int32),
    )(rt, at, rp, ap, cf, bg)


def _sc_hist_kernel(keys_hbm, hist_hbm, buf, hist):
    c = lax.axis_index("c")
    s = lax.axis_index("s")
    sample = c * 8 + s // 2
    half = s % 2

    pltpu.sync_copy(keys_hbm.at[sample, half], buf)

    @plsc.parallel_loop(0, 2048, 1, unroll=8)
    def zero(j):
        hist[pl.ds(j * 16, 16)] = jnp.zeros((16,), jnp.int32)

    ones = jnp.ones((16,), jnp.int32)

    @plsc.parallel_loop(0, HALF // 16, 1, unroll=8)
    def body(j):
        v = buf[pl.ds(j * 16, 16)]
        idx = jnp.where(v >= 0, lax.shift_right_arithmetic(v, 15), 0)
        plsc.addupdate_scatter(hist, [idx], ones)

    pltpu.sync_copy(hist, hist_hbm.at[sample, half])


def _sc_hist(keys2):
    mesh = plsc.VectorSubcoreMesh(core_axis_name="c", subcore_axis_name="s")
    fn = pl.kernel(
        _sc_hist_kernel,
        mesh=mesh,
        out_type=jax.ShapeDtypeStruct((B, 2, 32768), jnp.int32),
        scratch_types=[
            pltpu.VMEM((HALF,), jnp.int32),
            pltpu.VMEM((32768,), jnp.int32),
        ],
        compiler_params=pltpu.CompilerParams(needs_layout_passes=False),
    )
    return fn(keys2)


def kernel(region_true, affinity_true, region_pred, affinity_pred,
           confidence, fg_mask, bg_mask):
    keys = _tc_keys(region_true, affinity_true, region_pred, affinity_pred,
                    confidence, bg_mask)
    hists = _sc_hist(keys.reshape(B, 2, HALF))
    return jnp.sum(hists[:, :, 0].astype(jnp.float32))

# --- scband reference (transcript-rebuilt; emitter-appended) ---
"""Pipeline reference for scband-craft-mse-loss-36180804502178 (READ-ONLY COPY).

The authoritative reference and input builder live on the scoring server;
editing this copy changes nothing except your own understanding.
"""

import jax, jax.numpy as jnp
import numpy as np

B, H, W = 16, 384, 384
EPS = 1e-7


def setup_inputs(seed: int = 0) -> dict:
    key = jax.random.key(seed)
    ks = jax.random.split(key, 7)
    region_true = jax.random.uniform(ks[0], (B, H, W), dtype=jnp.float32)
    affinity_true = jax.random.uniform(ks[1], (B, H, W), dtype=jnp.float32)
    region_pred = jax.random.uniform(ks[2], (B, H, W), dtype=jnp.float32)
    affinity_pred = jax.random.uniform(ks[3], (B, H, W), dtype=jnp.float32)
    confidence = jax.random.uniform(ks[4], (B, H, W), dtype=jnp.float32)
    fg_mask = jax.random.randint(ks[5], (B, H, W), 0, 2).astype(jnp.float32)
    bg_mask = jax.random.randint(ks[6], (B, H, W), 0, 2).astype(jnp.float32)
    return {
        'region_true': region_true,
        'affinity_true': affinity_true,
        'region_pred': region_pred,
        'affinity_pred': affinity_pred,
        'confidence': confidence,
        'fg_mask': fg_mask,
        'bg_mask': bg_mask,
    }


def _ohem(loss, fg, bg, negative_ratio=3.0):
    fg_num = jnp.sum(fg)
    bg_num = jnp.sum(bg)
    neg_num = jnp.maximum((fg_num * negative_ratio).astype(jnp.int32), 10000)
    neg_num = jnp.minimum(bg_num.astype(jnp.int32), neg_num)
    neg_loss = loss * bg
    vals, _ = jax.lax.top_k(neg_loss.reshape(-1), neg_loss.size)
    thresh = vals[neg_num - 1]
    hard = jnp.logical_and(bg > 0, neg_loss >= thresh).astype(jnp.float32)
    return hard


def reference(region_true, affinity_true, region_pred, affinity_pred, confidence, fg_mask, bg_mask):
    l_region = jnp.power(region_true - region_pred, 2) * confidence
    l_affinity = jnp.power(affinity_true - affinity_pred, 2) * confidence
    l_total = l_region + l_affinity
    hards = [_ohem(l_total[i], fg_mask[i], bg_mask[i]) for i in range(l_total.shape[0])]
    hard_bg_mask = jnp.stack(hards, axis=0)
    train_mask = hard_bg_mask + fg_mask
    l_masked = l_total * train_mask
    return jnp.sum(l_masked) / (jnp.sum(confidence * train_mask) + EPS)

if __name__ == "__main__":
    import jax
    _d = setup_inputs()
    print(jax.jit(kernel)(*tuple(_d.values())))

</pallas_src>

<mosaic_0001>
#map = affine_map<(d0, d1) -> (0, 0, 0)>
module attributes {stable_mosaic.version = 14 : i64} {
  func.func @_sc_hist_kernel(%arg0: i32, %arg1: i32, %arg2: memref<16x2x73728xi32, #tpu.memory_space<hbm>>, %arg3: memref<16x2x32768xi32, #tpu.memory_space<hbm>>, %arg4: memref<73728xi32, #tpu.memory_space<vmem>>, %arg5: memref<32768xi32, #tpu.memory_space<vmem>>) attributes {dimension_semantics = [#tpu.dimension_semantics<core_parallel>, #tpu.dimension_semantics<subcore_parallel>], iteration_bounds = array<i64: 2, 16>, scalar_prefetch = 0 : i64, scratch_operands = 2 : i64, tpu.core_type = #tpu.core_type<sc_vector_subcore>, window_params = [{transform_indices = #map}, {transform_indices = #map}]} {
    %mul3A = arith.constant 8 : i32
    %mul3A_0 = arith.muli %arg0, %mul3A : i32
    %jit3A = arith.constant 2 : i32
    %div3A = arith.divsi %arg1, %jit3A : i32
    %sign3A = arith.constant 0 : i32
    %sign3A_1 = arith.cmpi sgt, %arg1, %sign3A : i32
    %sign3A_2 = arith.extui %sign3A_1 : i1 to i32
    %sign3A_3 = arith.constant 0 : i32
    %sign3A_4 = arith.cmpi slt, %arg1, %sign3A_3 : i32
    %sign3A_5 = arith.extui %sign3A_4 : i1 to i32
    %sign3A_6 = arith.subi %sign3A_2, %sign3A_5 : i32
    %sign3A_7 = arith.constant 0 : i32
    %sign3A_8 = arith.cmpi sgt, %jit3A, %sign3A_7 : i32
    %sign3A_9 = arith.extui %sign3A_8 : i1 to i32
    %sign3A_10 = arith.constant 0 : i32
    %sign3A_11 = arith.cmpi slt, %jit3A, %sign3A_10 : i32
    %sign3A_12 = arith.extui %sign3A_11 : i1 to i32
    %sign3A_13 = arith.subi %sign3A_9, %sign3A_12 : i32
    %ne3A = arith.cmpi ne, %sign3A_6, %sign3A_13 : i32
    %rem3A = arith.remsi %arg1, %jit3A : i32
    %ne3A_14 = arith.constant 0 : i32
    %ne3A_15 = arith.cmpi ne, %rem3A, %ne3A_14 : i32
    %and3A = arith.andi %ne3A, %ne3A_15 : i1
    %sub3A = arith.constant 1 : i32
    %sub3A_16 = arith.subi %div3A, %sub3A : i32
    %select_n3A = arith.select %and3A, %sub3A_16, %div3A : i32
    %add3A = arith.addi %mul3A_0, %select_n3A : i32
    %jit3A_17 = arith.constant 2 : i32
    %eq3A = arith.constant 0 : i32
    %eq3A_18 = arith.cmpi eq, %jit3A_17, %eq3A : i32
    %jit3A_19 = arith.constant 1 : i32
    %select_n3A_20 = arith.select %eq3A_18, %jit3A_19, %jit3A_17 : i32
    %rem3A_21 = arith.remsi %arg1, %select_n3A_20 : i32
    %ne3A_22 = arith.constant 0 : i32
    %ne3A_23 = arith.cmpi ne, %rem3A_21, %ne3A_22 : i32
    %lt3A = arith.constant 0 : i32
    %lt3A_24 = arith.cmpi slt, %rem3A_21, %lt3A : i32
    %lt3A_25 = arith.constant 0 : i32
    %lt3A_26 = arith.cmpi slt, %select_n3A_20, %lt3A_25 : i32
    %ne3A_27 = arith.xori %lt3A_24, %lt3A_26 : i1
    %and3A_28 = arith.andi %ne3A_27, %ne3A_23 : i1
    %add3A_29 = arith.addi %rem3A_21, %select_n3A_20 : i32
    %select_n3A_30 = arith.select %and3A_28, %add3A_29, %rem3A_21 : i32
    "tpu.region"() ({
      %run_scoped3A = tpu.sem_alloc : memref<!tpu.dma_semaphore, #tpu.memory_space<semaphore_mem>>
      %dma_start3A = arith.constant 0 : i32
      %dma_start3A_37 = tpu.memref_slice %arg2[%add3A, %select_n3A_30, %dma_start3A] : memref<16x2x73728xi32, #tpu.memory_space<hbm>> -> memref<1x1x73728xi32, #tpu.memory_space<hbm>>
      %dma_start3A_38 = tpu.memref_squeeze %dma_start3A_37 : memref<1x1x73728xi32, #tpu.memory_space<hbm>> -> memref<73728xi32, #tpu.memory_space<hbm>>
      %dma_start3A_39 = arith.constant 0 : i32
      %dma_start3A_40 = tpu.memref_slice %arg2[%add3A, %select_n3A_30, %dma_start3A_39] : memref<16x2x73728xi32, #tpu.memory_space<hbm>> -> memref<1x1x73728xi32, #tpu.memory_space<hbm>>
      %dma_start3A_41 = tpu.memref_squeeze %dma_start3A_40 : memref<1x1x73728xi32, #tpu.memory_space<hbm>> -> memref<73728xi32, #tpu.memory_space<hbm>>
      tpu.enqueue_dma source(%dma_start3A_41 : memref<73728xi32, #tpu.memory_space<hbm>>) target(%arg4 : memref<73728xi32, #tpu.memory_space<vmem>>) target_semaphore(%run_scoped3A : memref<!tpu.dma_semaphore, #tpu.memory_space<semaphore_mem>>)
      %dma_wait3A = arith.constant 0 : i32
      %dma_wait3A_42 = tpu.memref_slice %arg2[%add3A, %select_n3A_30, %dma_wait3A] : memref<16x2x73728xi32, #tpu.memory_space<hbm>> -> memref<1x1x73728xi32, #tpu.memory_space<hbm>>
      %dma_wait3A_43 = tpu.memref_squeeze %dma_wait3A_42 : memref<1x1x73728xi32, #tpu.memory_space<hbm>> -> memref<73728xi32, #tpu.memory_space<hbm>>
      %dma_wait3A_44 = arith.constant 0 : i32
      %dma_wait3A_45 = tpu.memref_slice %arg2[%add3A, %select_n3A_30, %dma_wait3A_44] : memref<16x2x73728xi32, #tpu.memory_space<hbm>> -> memref<1x1x73728xi32, #tpu.memory_space<hbm>>
      %dma_wait3A_46 = tpu.memref_squeeze %dma_wait3A_45 : memref<1x1x73728xi32, #tpu.memory_space<hbm>> -> memref<73728xi32, #tpu.memory_space<hbm>>
      tpu.wait_dma2 semaphore(%run_scoped3A : memref<!tpu.dma_semaphore, #tpu.memory_space<semaphore_mem>>) src(%dma_wait3A_46 : memref<73728xi32, #tpu.memory_space<hbm>>) dst(%arg4 : memref<73728xi32, #tpu.memory_space<vmem>>)
      tpu.yield
    }) : () -> ()
    %parallel_loop3A = arith.constant 0 : i32
    %parallel_loop3A_31 = arith.constant 2048 : i32
    %parallel_loop3A_32 = arith.constant 1 : i32
    scf.for %parallel_loop3A_37 = %parallel_loop3A to %parallel_loop3A_31 step %parallel_loop3A_32  : i32 {
      %parallel_loop3A_38 = arith.constant 0 : i32
      %parallel_loop3A_39 = vector.broadcast %parallel_loop3A_38 : i32 to vector<16xi32>
      %parallel_loop3A_40 = arith.constant 16 : i32
      %parallel_loop3A_41 = arith.muli %parallel_loop3A_37, %parallel_loop3A_40 : i32
      %parallel_loop3A_42 = arith.index_cast %parallel_loop3A_41 : i32 to index
      %parallel_loop3A_43 = tpu.vector_load %arg5[%parallel_loop3A_42] {strides = array<i32>} : memref<32768xi32, #tpu.memory_space<vmem>>, vector<16xi32>,
      tpu.vector_store %arg5[%parallel_loop3A_42], %parallel_loop3A_39 {strides = array<i32>} : memref<32768xi32, #tpu.memory_space<vmem>>, vector<16xi32>,
    } {sc.loop_unroll_factor = 8 : i64, sc.parallel_access}
    %broadcast_in_dim3A = arith.constant 1 : i32
    %broadcast_in_dim3A_33 = vector.broadcast %broadcast_in_dim3A : i32 to vector<16xi32>
    %parallel_loop3A_34 = arith.constant 0 : i32
    %parallel_loop3A_35 = arith.constant 4608 : i32
    %parallel_loop3A_36 = arith.constant 1 : i32
    scf.for %parallel_loop3A_37 = %parallel_loop3A_34 to %parallel_loop3A_35 step %parallel_loop3A_36  : i32 {
      %parallel_loop3A_38 = arith.constant 16 : i32
      %parallel_loop3A_39 = arith.muli %parallel_loop3A_37, %parallel_loop3A_38 : i32
      %parallel_loop3A_40 = arith.index_cast %parallel_loop3A_39 : i32 to index
      %parallel_loop3A_41 = tpu.vector_load %arg4[%parallel_loop3A_40] {strides = array<i32>} : memref<73728xi32, #tpu.memory_space<vmem>>, vector<16xi32>,
      %parallel_loop3A_42 = arith.constant 0 : i32
      %parallel_loop3A_43 = vector.broadcast %parallel_loop3A_42 : i32 to vector<16xi32>
      %parallel_loop3A_44 = arith.cmpi sge, %parallel_loop3A_41, %parallel_loop3A_43 : vector<16xi32>
      %parallel_loop3A_45 = arith.constant 15 : i32
      %parallel_loop3A_46 = vector.broadcast %parallel_loop3A_45 : i32 to vector<16xi32>
      %parallel_loop3A_47 = arith.shrsi %parallel_loop3A_41, %parallel_loop3A_46 : vector<16xi32>
      %parallel_loop3A_48 = arith.constant 0 : i32
      %parallel_loop3A_49 = vector.broadcast %parallel_loop3A_48 : i32 to vector<16xi32>
      %parallel_loop3A_50 = arith.select %parallel_loop3A_44, %parallel_loop3A_47, %parallel_loop3A_49 : vector<16xi1>, vector<16xi32>
      tpu.vector_store_idx %arg5[%parallel_loop3A_50], %broadcast_in_dim3A_33 {add = true} : memref<32768xi32, #tpu.memory_space<vmem>>[vector<16xi32>], vector<16xi32>,
    } {sc.loop_unroll_factor = 8 : i64, sc.parallel_access}
    "tpu.region"() ({
      %run_scoped3A = tpu.sem_alloc : memref<!tpu.dma_semaphore, #tpu.memory_space<semaphore_mem>>
      %dma_start3A = arith.constant 0 : i32
      %dma_start3A_37 = tpu.memref_slice %arg3[%add3A, %select_n3A_30, %dma_start3A] : memref<16x2x32768xi32, #tpu.memory_space<hbm>> -> memref<1x1x32768xi32, #tpu.memory_space<hbm>>
      %dma_start3A_38 = tpu.memref_squeeze %dma_start3A_37 : memref<1x1x32768xi32, #tpu.memory_space<hbm>> -> memref<32768xi32, #tpu.memory_space<hbm>>
      %dma_start3A_39 = arith.constant 0 : i32
      %dma_start3A_40 = tpu.memref_slice %arg3[%add3A, %select_n3A_30, %dma_start3A_39] : memref<16x2x32768xi32, #tpu.memory_space<hbm>> -> memref<1x1x32768xi32, #tpu.memory_space<hbm>>
      %dma_start3A_41 = tpu.memref_squeeze %dma_start3A_40 : memref<1x1x32768xi32, #tpu.memory_space<hbm>> -> memref<32768xi32, #tpu.memory_space<hbm>>
      tpu.enqueue_dma source(%arg5 : memref<32768xi32, #tpu.memory_space<vmem>>) target(%dma_start3A_41 : memref<32768xi32, #tpu.memory_space<hbm>>) target_semaphore(%run_scoped3A : memref<!tpu.dma_semaphore, #tpu.memory_space<semaphore_mem>>)
      %dma_wait3A = arith.constant 0 : i32
      %dma_wait3A_42 = tpu.memref_slice %arg3[%add3A, %select_n3A_30, %dma_wait3A] : memref<16x2x32768xi32, #tpu.memory_space<hbm>> -> memref<1x1x32768xi32, #tpu.memory_space<hbm>>
      %dma_wait3A_43 = tpu.memref_squeeze %dma_wait3A_42 : memref<1x1x32768xi32, #tpu.memory_space<hbm>> -> memref<32768xi32, #tpu.memory_space<hbm>>
      %dma_wait3A_44 = arith.constant 0 : i32
      %dma_wait3A_45 = tpu.memref_slice %arg3[%add3A, %select_n3A_30, %dma_wait3A_44] : memref<16x2x32768xi32, #tpu.memory_space<hbm>> -> memref<1x1x32768xi32, #tpu.memory_space<hbm>>
      %dma_wait3A_46 = tpu.memref_squeeze %dma_wait3A_45 : memref<1x1x32768xi32, #tpu.memory_space<hbm>> -> memref<32768xi32, #tpu.memory_space<hbm>>
      tpu.wait_dma2 semaphore(%run_scoped3A : memref<!tpu.dma_semaphore, #tpu.memory_space<semaphore_mem>>) src(%arg5 : memref<32768xi32, #tpu.memory_space<vmem>>) dst(%dma_wait3A_46 : memref<32768xi32, #tpu.memory_space<hbm>>)
      tpu.yield
    }) : () -> ()
    return
  }
}

module attributes {stable_mosaic.version = 14 : i64} {
  func.func @_keys_kernel(%arg0: i32, %arg1: memref<1x384x384xf32, #tpu.memory_space<vmem>>, %arg2: memref<1x384x384xf32, #tpu.memory_space<vmem>>, %arg3: memref<1x384x384xf32, #tpu.memory_space<vmem>>, %arg4: memref<1x384x384xf32, #tpu.memory_space<vmem>>, %arg5: memref<1x384x384xf32, #tpu.memory_space<vmem>>, %arg6: memref<1x384x384xf32, #tpu.memory_space<vmem>>, %arg7: memref<1x384x384xi32, #tpu.memory_space<vmem>>) attributes {dimension_semantics = [#tpu.dimension_semantics<arbitrary>], iteration_bounds = array<i64: 16>, scalar_prefetch = 0 : i64, scratch_operands = 0 : i64, tpu.core_type = #tpu.core_type<tc>, window_params = [{transform_indices = @transform_0, window_bounds = array<i64: 1, 384, 384>}, {transform_indices = @transform_1, window_bounds = array<i64: 1, 384, 384>}, {transform_indices = @transform_2, window_bounds = array<i64: 1, 384, 384>}, {transform_indices = @transform_3, window_bounds = array<i64: 1, 384, 384>}, {transform_indices = @transform_4, window_bounds = array<i64: 1, 384, 384>}, {transform_indices = @transform_5, window_bounds = array<i64: 1, 384, 384>}, {transform_indices = @transform_6, window_bounds = array<i64: 1, 384, 384>}]} {
    %get3A = arith.constant 0 : index
    %get3A_0 = arith.constant 0 : index
    %get3A_1 = arith.constant 0 : index
    %get3A_2 = vector.load %arg1[%get3A, %get3A_0, %get3A_1] : memref<1x384x384xf32, #tpu.memory_space<vmem>>, vector<1x384x384xf32>
    %get3A_3 = vector.shape_cast %get3A_2 : vector<1x384x384xf32> to vector<384x384xf32>
    %get3A_4 = arith.constant 0 : index
    %get3A_5 = arith.constant 0 : index
    %get3A_6 = arith.constant 0 : index
    %get3A_7 = vector.load %arg3[%get3A_4, %get3A_5, %get3A_6] : memref<1x384x384xf32, #tpu.memory_space<vmem>>, vector<1x384x384xf32>
    %get3A_8 = vector.shape_cast %get3A_7 : vector<1x384x384xf32> to vector<384x384xf32>
    %sub3A = arith.subf %get3A_3, %get3A_8 : vector<384x384xf32>
    %get3A_9 = arith.constant 0 : index
    %get3A_10 = arith.constant 0 : index
    %get3A_11 = arith.constant 0 : index
    %get3A_12 = vector.load %arg2[%get3A_9, %get3A_10, %get3A_11] : memref<1x384x384xf32, #tpu.memory_space<vmem>>, vector<1x384x384xf32>
    %get3A_13 = vector.shape_cast %get3A_12 : vector<1x384x384xf32> to vector<384x384xf32>
    %get3A_14 = arith.constant 0 : index
    %get3A_15 = arith.constant 0 : index
    %get3A_16 = arith.constant 0 : index
    %get3A_17 = vector.load %arg4[%get3A_14, %get3A_15, %get3A_16] : memref<1x384x384xf32, #tpu.memory_space<vmem>>, vector<1x384x384xf32>
    %get3A_18 = vector.shape_cast %get3A_17 : vector<1x384x384xf32> to vector<384x384xf32>
    %sub3A_19 = arith.subf %get3A_13, %get3A_18 : vector<384x384xf32>
    %mul3A = arith.mulf %sub3A, %sub3A : vector<384x384xf32>
    %mul3A_20 = arith.mulf %sub3A_19, %sub3A_19 : vector<384x384xf32>
    %add3A = arith.addf %mul3A, %mul3A_20 : vector<384x384xf32>
    %get3A_21 = arith.constant 0 : index
    %get3A_22 = arith.constant 0 : index
    %get3A_23 = arith.constant 0 : index
    %get3A_24 = vector.load %arg5[%get3A_21, %get3A_22, %get3A_23] : memref<1x384x384xf32, #tpu.memory_space<vmem>>, vector<1x384x384xf32>
    %get3A_25 = vector.shape_cast %get3A_24 : vector<1x384x384xf32> to vector<384x384xf32>
    %mul3A_26 = arith.mulf %add3A, %get3A_25 : vector<384x384xf32>
    %get3A_27 = arith.constant 0 : index
    %get3A_28 = arith.constant 0 : index
    %get3A_29 = arith.constant 0 : index
    %get3A_30 = vector.load %arg6[%get3A_27, %get3A_28, %get3A_29] : memref<1x384x384xf32, #tpu.memory_space<vmem>>, vector<1x384x384xf32>
    %get3A_31 = vector.shape_cast %get3A_30 : vector<1x384x384xf32> to vector<384x384xf32>
    %gt3A = arith.constant 0.000000e+00 : f32
    %gt3A_32 = vector.broadcast %gt3A : f32 to vector<384x384xf32>
    %gt3A_33 = arith.cmpf ogt, %get3A_31, %gt3A_32 : vector<384x384xf32>
    %bitcast_convert_type3A = tpu.bitcast %mul3A_26 : vector<384x384xf32> -> vector<384x384xi32>
    %jit3A = arith.constant -1 : i32
    %broadcast_in_dim3A = vector.broadcast %jit3A : i32 to vector<384x384xi32>
    %select_n3A = arith.select %gt3A_33, %bitcast_convert_type3A, %broadcast_in_dim3A : vector<384x384xi1>, vector<384x384xi32>
    %swap3A = arith.constant 0 : index
    %swap3A_34 = arith.constant 0 : index
    %swap3A_35 = arith.constant 0 : index
    %swap3A_36 = vector.load %arg7[%swap3A, %swap3A_34, %swap3A_35] : memref<1x384x384xi32, #tpu.memory_space<vmem>>, vector<1x384x384xi32>
    %swap3A_37 = vector.shape_cast %swap3A_36 : vector<1x384x384xi32> to vector<384x384xi32>
    %swap3A_38 = vector.shape_cast %select_n3A : vector<384x384xi32> to vector<1x384x384xi32>
    tpu.vector_store %arg7[%swap3A, %swap3A_34, %swap3A_35], %swap3A_38 {strides = array<i32>} : memref<1x384x384xi32, #tpu.memory_space<vmem>>, vector<1x384x384xi32>,
    return
  }
  func.func @transform_0(%arg0: i32) -> (i32, i32, i32) {
    %c0_i32 = arith.constant 0 : i32
    %c0_i32_0 = arith.constant 0 : i32
    %c0_i32_1 = arith.constant 0 : i32
    return %arg0, %c0_i32, %c0_i32_0 : i32, i32, i32
  }
  func.func @transform_1(%arg0: i32) -> (i32, i32, i32) {
    %c0_i32 = arith.constant 0 : i32
    %c0_i32_0 = arith.constant 0 : i32
    %c0_i32_1 = arith.constant 0 : i32
    return %arg0, %c0_i32, %c0_i32_0 : i32, i32, i32
  }
  func.func @transform_2(%arg0: i32) -> (i32, i32, i32) {
    %c0_i32 = arith.constant 0 : i32
    %c0_i32_0 = arith.constant 0 : i32
    %c0_i32_1 = arith.constant 0 : i32
    return %arg0, %c0_i32, %c0_i32_0 : i32, i32, i32
  }
  func.func @transform_3(%arg0: i32) -> (i32, i32, i32) {
    %c0_i32 = arith.constant 0 : i32
    %c0_i32_0 = arith.constant 0 : i32
    %c0_i32_1 = arith.constant 0 : i32
    return %arg0, %c0_i32, %c0_i32_0 : i32, i32, i32
  }
  func.func @transform_4(%arg0: i32) -> (i32, i32, i32) {
    %c0_i32 = arith.constant 0 : i32
    %c0_i32_0 = arith.constant 0 : i32
    %c0_i32_1 = arith.constant 0 : i32
    return %arg0, %c0_i32, %c0_i32_0 : i32, i32, i32
  }
  func.func @transform_5(%arg0: i32) -> (i32, i32, i32) {
    %c0_i32 = arith.constant 0 : i32
    %c0_i32_0 = arith.constant 0 : i32
    %c0_i32_1 = arith.constant 0 : i32
    return %arg0, %c0_i32, %c0_i32_0 : i32, i32, i32
  }
  func.func @transform_6(%arg0: i32) -> (i32, i32, i32) {
    %c0_i32 = arith.constant 0 : i32
    %c0_i32_0 = arith.constant 0 : i32
    %c0_i32_1 = arith.constant 0 : i32
    return %arg0, %c0_i32, %c0_i32_0 : i32, i32, i32
  }
}

</mosaic_0001>

<sc_bundles>
// kernel: kernel.4.cloned.1.call-start
scs
__scs_entry_jumppad:
0x0: {  	(pc) =	sbr.rel $0x88, $3  }
0x1: {  	(tag) =	ssettag $0x0;
	lr =	simm.s32 $0x1  }
0x2: {  	[smem:$0x3F9B] =	sst lr;
	_ =	strace $0xD0000000  }
0x3: {  	_ = 	snop  }
0x4: {  	_ = 	snop  }
0x5: {  	_ = 	snop  }
0x6: {  	_ = 	snop  }
0x7: {  	_ = 	snop  }
__scs_overlays_trampoline_lowered:
0x8: {  	[smem:$0x3FAA] =	sst s0  }
0x9: {  	[smem:$0x3FAB] =	sst s1  }
0xa: {  	[smem:$0x3FAC] =	sst s2  }
0xb: {  	[smem:$0x3FAD] =	sst s3  }
0xc: {  	[smem:$0x3FAE] =	sst s4  }
0xd: {  	[smem:$0x3FAF] =	sst s5  }
0xe: {  	[smem:$0x3FB0] =	sst s6  }
0xf: {  	[smem:$0x3FB1] =	sst s7  }
0x10: {  	[smem:$0x3FB2] =	sst s8  }
0x11: {  	[smem:$0x3FB3] =	sst s9;
	s0 =	simm.s32 @!p0 $0x0  }
0x12: {  	s1 =	sld [smem:$0x3F99];
	s0 =	simm.s32 @p0 $0x1  }
0x13: {  	[smem:$0x3FB4] =	sst s0;
	s0 =	simm.s32 @!p1 $0x0  }
0x14: {  	s2 =	sld [smem:$0x3F98];
	s0 =	simm.s32 @p1 $0x1  }
0x15: {  	[smem:$0x3FB5] =	sst s0;
	s0 =	simm.s32 @!p2 $0x0  }
0x16: {  	s3 =	sld [smem:$0x3FDB];
	s0 =	simm.s32 @p2 $0x1  }
0x17: {  	s4 =	simm.s32 $0x1BF5;
	[smem:$0x3FB7] =	sst s0  }
0x18: {  	s0 =	sld [smem:$0x3F9A];
	_ =	swait.ge [sflag:s4], $0x0  }
0x19: {  	s7 =	sld [smem:$0x3F9B]  }
0x1a: {  	s8 =	sadd.s32 $0xFFFFE003, lr  }
0x1b: {  	s9 =	sadd.s32 $0xFFFFFEF7, lr;
	s5 =	simm.s32 $0xFFFFFFFF;
	p2 =	slt.u32 s8, $0xFFFFF086  }
0x1c: {  	p1 =	slt.u32 s9, $0xF7A;
	s5 =	simm.s32 @!p2 $0x0  }
0x1d: {  	s5 =	simm.s32 @p1 $0x1;
	p0 =	seq.s32 s7, s2  }
0x1e: {  	s7 =	smul.u32 @!p0 $0xF7A, s2;
	p2 =	seq.s32 @!p0 s5, $0x0  }
0x1f: {  	s9 =	smul.u32 $0xF7A, s1;
	s8 =	simm.s32 @!p0 $0x1BF5;
	p2 =	por !p2, p0  }
0x20: {  	[sflag:s8] =	ssyncset.s32 @!p0 $0xFFFFF086;
	s6 =	sadd.s32 @!p0 s3, s7;
	s7 =	simm.s32 @!p0 $0x108  }
0x21: {  	s3 =	sadd.s32 s3, s9;
	s6 =	sadd.s32 @!p0 $0x88, s6;
	s7 =	simm.s32 @p2 $0x1082  }
0x22: {  	[simem:s7], [sflag:s8] =	dma.local @!p0 [hbm:s6], $0xF7A  }
0x23: {  	s9 =	sor.u32 $0xD0000000, s2;
	s6 =	simm.s32 $0x108;
	_ =	swait.ge @!p0 [sflag:s8], $0x0  }
0x24: {  	s3 =	sadd.s32 $0x88, s3;
	s6 =	simm.s32 @!p1 $0x1082;
	[sflag:s4] =	ssyncset.s32 $0xFFFFF086  }
0x25: {  	[simem:s6], [sflag:s4] =	dma.local [hbm:s3], $0xF7A  }
0x26: {  	[smem:$0x3F9B] =	sst s1;
	(tag) =	ssettag s2;
	_ =	strace s9  }
0x27: {  	s1 =	sld [smem:$0x3FAB]  }
0x28: {  	s2 =	sld [smem:$0x3FAC]  }
0x29: {  	s4 =	sld [smem:$0x3FAE]  }
0x2a: {  	p0 =	seq.s32 s5, $0x0;
	s5 =	sld [smem:$0x3FAF]  }
0x2b: {  	s6 =	sld [smem:$0x3FB0]  }
0x2c: {  	s7 =	sld [smem:$0x3FB1]  }
0x2d: {  	s3 =	simm.s32 $0x108;
	s8 =	sld [smem:$0x3FB2]  }
0x2e: {  	s3 =	simm.s32 @!p0 $0x1082;
	s9 =	sld [smem:$0x3FB3]  }
0x2f: {  	lr =	sadd.s32 s0, s3;
	s0 =	sld [smem:$0x3FAA]  }
0x30: {  	s3 =	sld [smem:$0x3FAD]  }
0x31: {  	[smem:$0x3FB6] =	sst s10  }
0x32: {  	s10 =	sld [smem:$0x3FB4];
	_ =	sdelay $0x3  }
0x33: {  	p0 =	seq.s32 s10, $0x1;
	s10 =	sld [smem:$0x3FB6];
	_ =	sdelay $0x3  }
0x34: {  	[smem:$0x3FB6] =	sst s10  }
0x35: {  	s10 =	sld [smem:$0x3FB5];
	_ =	sdelay $0x3  }
0x36: {  	p1 =	seq.s32 s10, $0x1;
	s10 =	sld [smem:$0x3FB6];
	_ =	sdelay $0x3  }
0x37: {  	[smem:$0x3FB6] =	sst s10  }
0x38: {  	s10 =	sld [smem:$0x3FB7]  }
0x39: {  	_ = 	snop;
	(pc) =	sbr.ind lr, $3  }
0x3a: {  	_ = 	snop  }
0x3b: {  	_ = 	snop  }
0x3c: {  	p2 =	seq.s32 s10, $0x1;
	s10 =	sld [smem:$0x3FB6]  }
0x3d: {  	_ =	shalt  }
0x3e: {  	_ =	shalt  }
0x3f: {  	_ =	shalt  }
0x40: {  	_ =	shalt  }
0x41: {  	_ =	shalt  }
0x42: {  	_ =	shalt  }
0x43: {  	_ =	shalt  }
0x44: {  	_ =	shalt  }
0x45: {  	_ =	shalt  }
0x46: {  	_ =	shalt  }
0x47: {  	_ =	shalt  }
0x48: {  	_ =	shalt  }
0x49: {  	_ =	shalt  }
0x4a: {  	_ =	shalt  }
0x4b: {  	_ =	shalt  }
0x4c: {  	_ =	shalt  }
0x4d: {  	_ =	shalt  }
0x4e: {  	_ =	shalt  }
0x4f: {  	_ =	shalt  }
0x50: {  	_ =	shalt  }
0x51: {  	_ =	shalt  }
0x52: {  	_ =	shalt  }
0x53: {  	_ =	shalt  }
0x54: {  	_ =	shalt  }
0x55: {  	_ =	shalt  }
0x56: {  	_ =	shalt  }
0x57: {  	_ =	shalt  }
0x58: {  	_ =	shalt  }
0x59: {  	_ =	shalt  }
0x5a: {  	_ =	shalt  }
0x5b: {  	_ =	shalt  }
0x5c: {  	_ =	shalt  }
0x5d: {  	_ =	shalt  }
0x5e: {  	_ =	shalt  }
0x5f: {  	_ =	shalt  }
0x60: {  	_ =	shalt  }
0x61: {  	_ =	shalt  }
0x62: {  	_ =	shalt  }
0x63: {  	_ =	shalt  }
0x64: {  	_ =	shalt  }
0x65: {  	_ =	shalt  }
0x66: {  	_ =	shalt  }
0x67: {  	_ =	shalt  }
0x68: {  	_ =	shalt  }
0x69: {  	_ =	shalt  }
0x6a: {  	_ =	shalt  }
0x6b: {  	_ =	shalt  }
0x6c: {  	_ =	shalt  }
0x6d: {  	_ =	shalt  }
0x6e: {  	_ =	shalt  }
0x6f: {  	_ =	shalt  }
0x70: {  	_ =	shalt  }
0x71: {  	_ =	shalt  }
0x72: {  	_ =	shalt  }
0x73: {  	_ =	shalt  }
0x74: {  	_ =	shalt  }
0x75: {  	_ =	shalt  }
0x76: {  	_ =	shalt  }
0x77: {  	_ =	shalt  }
0x78: {  	_ =	shalt  }
0x79: {  	_ =	shalt  }
0x7a: {  	_ =	shalt  }
0x7b: {  	_ =	shalt  }
0x7c: {  	_ =	shalt  }
0x7d: {  	_ =	shalt  }
0x7e: {  	_ =	shalt  }
0x7f: {  	_ =	shalt  }
0x80: {  	_ =	shalt  }
0x81: {  	_ =	shalt  }
0x82: {  	_ =	shalt  }
0x83: {  	_ =	shalt  }
0x84: {  	_ =	shalt  }
0x85: {  	_ =	shalt  }
0x86: {  	_ =	shalt  }
0x87: {  	_ =	shalt  }
.Lfunc_end0:
.L_simem_size_0:
called_computation_lowered:
.L_overlay_start_0:
0x88: {  	s2 =	sld [smem:$0x3FD9]  }
0x89: {  	s3 =	sld [smem:$0x3FFE];
	_ =	sdelay $0x1  }
0x8a: {  	s1 =	srdreg.scid  }
0x8b: {  	s0 =	sand.u32 $0x1, s1  }
0x8c: {  	s16 =	sshll.u32 s0, $0xA;
	s2 =	sadd.s32 s3, s2  }
0x8d: {  	s2 =	sadd.s32 s2, s16  }
0x8e: {  	[smem:$0x3FC2] =	sst s2  }
0x8f: {  	_ = 	snop  }
0x90: {  	(tm) =	ssettm $0x1  }
0x91: {  	s17 =	sld [smem:$0x3FFB];
	_ =	sdelay $0x3  }
0x92: {  	_ =	strace s17  }
0x93: {  	s2 =	sld [smem:$0x3FFC];
	_ =	sdelay $0x3  }
0x94: {  	_ =	strace s2  }
0x95: {  	s2 =	sld [smem:$0x3FFD];
	_ =	sdelay $0x3  }
0x96: {  	_ =	strace s2  }
0x97: {  	_ =	strace $0x8FFFFFFF  }
0x98: {  	s18 =	sld [smem:$0x3FDB];
	_ =	sdelay $0x1  }
0x99: {  	s19 =	simm.s32 $_scs_section_size  }
0x9a: {  	s4 =	simm.s32 $_size__tile_overlayer_lowered;
	s5 =	simm.s32 $_tile_overlayer_lowered  }
0x9b: {  	s22 =	simm.s32 $0x1BFF;
	s21 =	sshll.u32 s5, $0x1;
	s2 =	sadd.s32 s19, s18  }
0x9c: {  	s6 =	simm.s32 $0x0;
	s20 =	sshll.u32 s4, $0x1;
	s4 =	sadd.s32 s21, s2  }
0x9d: {  	[timem:s6], [sflag:s22] =	dma.local [hbm:s4], s20  }
0x9e: {  	_ =	swait.ge [sflag:s22], s20  }
0x9f: {  	s3 =	ssub.s32 $0x0, s20;
	[sflag:s22] =	ssyncset.done $0x0  }
0xa0: {  	[sflag:s22] =	ssyncadd.s32 s3;
	_ =	sdelay $0x1  }
0xa1: {  	s23 =	simm.s32 $0x1B8B  }
0xa2: {  	_ =	swait.ge [sflag:s23], $0x1  }
0xa3: {  	[sflag:s23] =	ssyncset.done $0x0  }
0xa4: {  	s25 =	simm.s32 $0x1B8E;
	s24 =	sld [smem:$0x3FFE];
	[sflag:s23] =	ssyncadd.s32 $0xFFFFFFFF  }
0xa5: {  	s26 =	simm.s32 $execute0_lowered;
	[smem:$0x3FD2] =	sst s25  }
0xa6: {  	s4 =	sshll.u32 s26, $0x1;
	_ =	strace $0x80000046;
	[dreg:$0x1] =	wrdreg $0xFFFFFFFF  }
0xa7: {  	s28 =	simm.s32 $_size_execute0_lowered;
	s2 =	sadd.s32 s2, s4;
	[dreg:$0x0] =	wrdreg $0x0  }
0xa8: {  	s4 =	sshll.u32 s28, $0x1;
	[dreg:$0x2] =	wrdreg s2  }
0xa9: {  	[dreg:$0x3] =	wrdreg s4  }
0xaa: {  	[dreg:$0x4] =	wrdreg $0xC0  }
0xab: {  	_ =	task [dreg:s6], $0x5FFFF  }
0xac: {  	[dreg:$0x1] =	wrdreg $0xFFFFFFFF  }
0xad: {  	[dreg:$0x0] =	wrdreg $0x60  }
0xae: {  	[dreg:$0x2] =	wrdreg s24  }
0xaf: {  	[dreg:$0x3] =	wrdreg $0x9  }
0xb0: {  	_ =	task.clear_ibuf [dreg:s6], $0x4FFFF;
	_ =	strace $0x90000046  }
0xb1: {  	s29 =	simm.s32 $0x9;
	_ =	strace $0x80000048  }
0xb2: {  	_ =	swait.ge [sflag:s29], $0x1  }
0xb3: {  	[sflag:s29] =	ssyncadd.s32 $0xFFFFFFFF  }
0xb4: {  	_ =	strace $0x90000048  }
0xb5: {  	_ =	sfence  }
0xb6: {  	s30 =	sld [smem:$0x0];
	_ =	sdelay $0x2  }
0xb7: {  	s31 =	sshll.u32 s1, $0xD;
	s1 =	sshrl.u32 s1, $0x2  }
0xb8: {  	s3 =	sand.u32 $0x4000, s31;
	s1 =	sadd.s32 s1, s30  }
0xb9: {  	s0 =	sor.u32 s3, s0;
	s1 =	sshll.u32 s1, $0x11  }
0xba: {  	s0 =	sor.u32 s1, s0  }
0xbb: {  	s0 =	sadd.s32 $0x8F2B, s0  }
0xbc: {  	[sflag:s0] =	ssyncadd.remote.s32 $0x1  }
0xbd: {  	_ =	sfence.sel $0xFFFF  }
0xbe: {  	[dreg:$0x0] =	wrdreg $0xFFFFFFFF;
	(pc) =	sbr.abs _section_cstart, $3  }
0xbf: {  	[dreg:$0x1] =	wrdreg $0xFFFFFFFF  }
0xc0: {  	_ =	task.clear_ibuf [dreg:s6], $0x2FFFF;
	_ =	strace $0x9FFFFFFF  }
0xc1: {  	(tm) =	ssettm $0x7FFFFFFF  }
tec
execute0_lowered:
.L_overlay_start_1:
0x0: {  	(tag) =	ssettag $0x1  }
0x1: {  	s1 =	srdreg.scid;
	s0 =	stileid.u32  }
0x2: {  	s4 =	rddreg [dreg:$0x0];
	s8 =	simm.s32 $0x1;
	s3 =	sand.u32 $0x1, s1  }
0x3: {  	s9 =	simm.s32 $0x12000;
	s5 =	sshrl.u32 s0, $0x1;
	s2 =	sshll.u32 s3, $0x3  }
0x4: {  	s10 =	simm.s32 $0x0;
	s1 =	rddreg [dreg:$0x1];
	s5 =	sor.u32 s5, s2  }
0x5: {  	s6 =	sshll.u32 s0, $0x7;
	s3 =	ssub.s32 $0x2, s3;
	s7 =	smul.u32 $0x24000, s5  }
0x6: {  	s6 =	sand.u32 $0x80, s6;
	s2 =	simm.s32 $0x0;
	s31 =	sshrl.u32 s3, $0x1  }
0x7: {  	[smem:$0x7FF] =	sst s2;
	s5 =	sshll.u32 s5, $0x10;
	s7 =	sor.u32 s6, s7  }
0x8: {  	_ =	strace $0x80000047;
	s5 =	sor.u32 s6, s5;
	s30 =	sshrl.u32 s7, $0x3  }
0x9: {  	s5 =	sshrl.u32 s5, $0x3;
	s7 =	simm.s32 $0x100;
	s6 =	sadd.s32 s30, s4  }
0xa: {  	s4 =	sadd.s32 s5, s4;
	s5 =	ssub.s32 s3, s31;
	s3 =	sadd.s32 $0x200, s6  }
0xb: {  	v0 =	vimm.s32 $0x0;
	v1 =	vimm.s32 $0x1;
	s4 =	sadd.s32 $0x48200, s4;
	s5 =	smax.u32 s5, $0x1;
	s6 =	simm.s32 $0x80  }
.LBB2_1:
0xc: {  	[tilespmem:s2], [sflag:$0x1] =	stream.strided.gather [hbm4b:s3+s6], $0x12000, s7, s6, $0x38;
	[tilespmem:$0x1A000] =	vst v63  }
0xd: {  	_ =	swait.ge [sflag:s8], $0x12000  }
0xe: {  	[sflag:s8] =	ssyncset.done $0x0  }
0xf: {  	s12 =	simm.s32 $0x12040;
	[sflag:s8] =	ssyncadd.s32 $0xFFFEE000  }
0x10: {  	[tilespmem:s12+$0xFFFFFFC0] =	vst v0  }
0x11: {  	[tilespmem:s12+$0x30] =	vst v0  }
0x12: {  	[tilespmem:s12+$0x20] =	vst v0  }
0x13: {  	[tilespmem:s12+$0x10] =	vst v0  }
0x14: {  	[tilespmem:s12+$0x0] =	vst v0  }
0x15: {  	[tilespmem:s12+$0xFFFFFFF0] =	vst v0  }
0x16: {  	s13 =	simm.s32 $0x0;
	[tilespmem:s12+$0xFFFFFFE0] =	vst v0  }
.LBB2_2:
0x17: {  	s13 =	sadd.s32 $0x8, s13;
	[tilespmem:s12+$0xFFFFFFD0] =	vst v0;
	s12 =	sadd.s32 $0x80, s12;
	s11 =	simm.s32 $0x40  }
0x18: {  	[tilespmem:s12+$0xFFFFFFC0] =	vst v0;
	p0 =	slt.u32 s13, $0x7F8  }
0x19: {  	[tilespmem:s12+$0x30] =	vst v0  }
.Ltmp0:
0x1a: {  	[tilespmem:s12+$0x20] =	vst v0;
	(pc) =	sbr.rel @p0 .LBB2_2-.Ltmp0, $4  }
0x1b: {  	[tilespmem:s12+$0x10] =	vst v0  }
0x1c: {  	[tilespmem:s12+$0x0] =	vst v0  }
0x1d: {  	[tilespmem:s12+$0xFFFFFFF0] =	vst v0  }
0x1e: {  	[tilespmem:s12+$0xFFFFFFE0] =	vst v0  }
0x1f: {  	[tilespmem:s12+$0xFFFFFFD0] =	vst v0  }
0x20: {  	v2 =	vld [tilespmem:s11+$0x30]  }
0x21: {  	v3 =	vld [tilespmem:s11+$0xFFFFFFD0]  }
0x22: {  	v4 =	vld [tilespmem:s11+$0xFFFFFFE0]  }
0x23: {  	v5 =	vld [tilespmem:s11+$0xFFFFFFF0];
	_ =	sdelay $0x1  }
0x24: {  	v6 =	vld [tilespmem:s11+$0x0];
	vm0 =	vgt.s32 v2, $0x0  }
0x25: {  	v7 =	vld [tilespmem:s11+$0x10];
	vm1 =	vgt.s32 v3, $0x0;
	v2 =	vnsel vm0, $0x0, v2  }
0x26: {  	v8 =	vld [tilespmem:s11+$0x20];
	vm10 =	vgt.s32 v4, $0x0;
	v3 =	vnsel vm1, $0x0, v3;
	v2 =	vshrl.u32 v2, $0xF  }
0x27: {  	v9 =	vld [tilespmem:s11+$0xFFFFFFC0];
	vm11 =	vgt.s32 v5, $0x0;
	v4 =	vnsel vm10, $0x0, v4;
	v3 =	vshrl.u32 v3, $0xF  }
0x28: {  	v5 =	vnsel vm11, $0x0, v5;
	v4 =	vshrl.u32 v4, $0xF  }
0x29: {  	v10 =	vshrl.u32 v5, $0xF;
	_ =	sdelay $0x1  }
0x2a: {  	vm12 =	vgt.s32 v6, $0x0;
	vm13 =	vgt.s32 v7, $0x0;
	vm14 =	vgt.s32 v8, $0x0;
	[tilespmem:v2+s9+$0x0] =	vst.idx.add.s32.msk $0xffff, v1  }
0x2b: {  	vm15 =	vgt.s32 v9, $0x0;
	v5 =	vnsel vm12, $0x0, v6;
	v6 =	vnsel vm13, $0x0, v7;
	[tilespmem:v3+s9+$0x0] =	vst.idx.add.s32.msk $0xffff, v1  }
0x2c: {  	v7 =	vnsel vm15, $0x0, v9;
	v2 =	vshrl.u32 v5, $0xF;
	v5 =	vnsel vm14, $0x0, v8;
	[tilespmem:v4+s9+$0x0] =	vst.idx.add.s32.msk $0xffff, v1  }
0x2d: {  	s12 =	simm.s32 $0xC0;
	s11 =	simm.s32 $0x0;
	v3 =	vshrl.u32 v6, $0xF;
	[tilespmem:v10+s9+$0x0] =	vst.idx.add.s32.msk $0xffff, v1;
	v4 =	vshrl.u32 v5, $0xF;
	v5 =	vshrl.u32 v7, $0xF  }
.LBB2_4:
0x2e: {  	v6 =	vld [tilespmem:s12+$0x30];
	s11 =	sadd.s32 $0x8, s11  }
0x2f: {  	v7 =	vld [tilespmem:s12+$0xFFFFFFD0];
	p0 =	slt.u32 s11, $0x11F8  }
0x30: {  	v8 =	vld [tilespmem:s12+$0xFFFFFFE0]  }
0x31: {  	v9 =	vld [tilespmem:s12+$0xFFFFFFF0]  }
0x32: {  	v10 =	vld [tilespmem:s12+$0x0]  }
0x33: {  	v11 =	vld [tilespmem:s12+$0x10];
	vm0 =	vgt.s32 v6, $0x0  }
0x34: {  	vm1 =	vgt.s32 v7, $0x0;
	v12 =	vld [tilespmem:s12+$0x20];
	v6 =	vnsel vm0, $0x0, v6  }
0x35: {  	v13 =	vld [tilespmem:s12+$0xFFFFFFC0];
	v7 =	vnsel vm1, $0x0, v7;
	vm0 =	vgt.s32 v8, $0x0;
	v6 =	vshrl.u32 v6, $0xF  }
0x36: {  	v7 =	vshrl.u32 v7, $0xF;
	v8 =	vnsel vm0, $0x0, v8;
	vm0 =	vgt.s32 v9, $0x0;
	[tilespmem:v5+s9+$0x0] =	vst.idx.add.s32.msk $0xffff, v1  }
0x37: {  	v8 =	vshrl.u32 v8, $0xF;
	v5 =	vnsel vm0, $0x0, v9;
	vm0 =	vgt.s32 v10, $0x0;
	[tilespmem:v2+s9+$0x0] =	vst.idx.add.s32.msk $0xffff, v1  }
0x38: {  	v9 =	vshrl.u32 v5, $0xF;
	v2 =	vnsel vm0, $0x0, v10;
	vm0 =	vgt.s32 v11, $0x0;
	[tilespmem:v3+s9+$0x0] =	vst.idx.add.s32.msk $0xffff, v1  }
.Ltmp1:
0x39: {  	v2 =	vshrl.u32 v2, $0xF;
	v3 =	vnsel vm0, $0x0, v11;
	vm0 =	vgt.s32 v12, $0x0;
	[tilespmem:v4+s9+$0x0] =	vst.idx.add.s32.msk $0xffff, v1;
	(pc) =	sbr.rel @p0 .LBB2_4-.Ltmp1, $4  }
0x3a: {  	vm1 =	vgt.s32 v13, $0x0;
	v3 =	vshrl.u32 v3, $0xF;
	v4 =	vnsel vm0, $0x0, v12;
	[tilespmem:v6+s9+$0x0] =	vst.idx.add.s32.msk $0xffff, v1  }
0x3b: {  	v5 =	vnsel vm1, $0x0, v13;
	[tilespmem:v7+s9+$0x0] =	vst.idx.add.s32.msk $0xffff, v1;
	v4 =	vshrl.u32 v4, $0xF  }
0x3c: {  	v5 =	vshrl.u32 v5, $0xF;
	[tilespmem:v8+s9+$0x0] =	vst.idx.add.s32.msk $0xffff, v1  }
0x3d: {  	s12 =	sadd.s32 $0x80, s12;
	[tilespmem:v9+s9+$0x0] =	vst.idx.add.s32.msk $0xffff, v1  }
0x3e: {  	_ =	sdelay $0x3  }
0x3f: {  	[tilespmem:v5+s9+$0x0] =	vst.idx.add.s32.msk $0xffff, v1  }
0x40: {  	[tilespmem:v2+s9+$0x0] =	vst.idx.add.s32.msk $0xffff, v1;
	s10 =	sadd.s32 $0x1, s10  }
0x41: {  	[tilespmem:v3+s9+$0x0] =	vst.idx.add.s32.msk $0xffff, v1;
	p0 =	sne.s32 s10, s5  }
.Ltmp2:
0x42: {  	[tilespmem:v4+s9+$0x0] =	vst.idx.add.s32.msk $0xffff, v1;
	(pc) =	sbr.rel @p0 .LBB2_1-.Ltmp2, $4  }
0x43: {  	[hbm4b:s4+s6] =	stream.strided.scatter [tilespmem:s9], [sflag:$0x1], $0x8000, s7, s6, $0x38;
	[tilespmem:$0x1A000] =	vst v63  }
0x44: {  	_ =	swait.ge [sflag:s8], $0x8000  }
0x45: {  	[sflag:s8] =	ssyncset.done $0x0  }
0x46: {  	[sflag:s8] =	ssyncadd.s32 $0xFFFF8000  }
0x47: {  	_ =	sfence.sel $0x180000  }
0x48: {  	[bflag:$0x0] =	sbarrier.arrive $0xFFFF  }
0x49: {  	p0 =	sne.s32 s0, $0x0;
	_ =	strace $0x90000047  }
0x4a: {  	s0 =	sadd.s32 @!p0 $0x100000, s1;
	[bflag:$0x2] =	sbarrier.arrive $0xFFFF  }
0x4b: {  	[sflag:s0] =	ssyncadd.tile.s32 @!p0 $0x1;
	_ =	shalt  }
.Lfunc_end2:
_tile_overlayer_lowered:
.L_overlay_start_2:
0x4c: {  	(tag) =	ssettag $0x2  }
0x4d: {  	s0 =	rddreg [dreg:$0x0];
	s2 =	stileid.u32  }
0x4e: {  	s1 =	rddreg [dreg:$0x1];
	p0 =	sne.s32 s2, $0x0  }
0x4f: {  	s3 =	rddreg [dreg:$0x2];
	[bflag:$0x3] =	sbarrier.arrive $0xFFFF;
	s2 =	simm.s32 @!p0 $0x1C01  }
0x50: {  	[timem:s3], [sflag:s2] =	dma.local @!p0 [hbm:s0], s1  }
0x51: {  	s0 =	simm.s32 @!p0 $0x1  }
0x52: {  	_ =	swait.ge @!p0 [sflag:s0], s1  }
0x53: {  	s1 =	ssub.s32 @!p0 $0x0, s1;
	[sflag:s0] =	ssyncset.done @!p0 $0x0  }
0x54: {  	[sflag:s0] =	ssyncadd.s32 @!p0 s1  }
0x55: {  	[bflag:$0x3] =	sbarrier.arrive $0xFFFF  }
0x56: {  	_ =	shalt  }

</sc_bundles>
